<compile_context>
chip_gen: v7x
topology: tpu7x:2x2x1
jax: 0.10.2.dev20260603
libtpu: 0.0.44.dev20260713+nightly
codegen_flags: <defaults>
</compile_context>

<pallas_src>
import functools

import jax
import jax.numpy as jnp
from jax import lax
from jax.experimental import pallas as pl
from jax.experimental.pallas import tpu as pltpu
from jax.experimental.pallas import tpu_sc as plsc

N_NODES = 10000
N_EDGES = 320000
D = 128

NC = 2
NS = 16
NW = NC * NS

CHUNK = 125
EDGES_PER_TILE = N_EDGES // NW
CHUNKS = EDGES_PER_TILE // CHUNK

ROWS_PER_TILE = N_NODES // NS
DEG_STRIDE = 640
N_PAD = NS * DEG_STRIDE


def _sc_aggregate_body(x_hbm, src_hbm, dst_hbm, acc_out, deg_out,
                       src_v, dst_v, rows_v, ones_v, zrow_v,
                       acc_sh, deg_sh, gsem):
    c = lax.axis_index("c")
    s = lax.axis_index("s")
    wid = c * NS + s

    def zero_rows(k, carry):
        rows_v[k // 8, pl.ds((k % 8) * 16, 16)] = jnp.zeros((16,), jnp.float32)
        return carry
    lax.fori_loop(0, CHUNK * 8, zero_rows, 0)

    def zero_zrow(k, carry):
        zrow_v[pl.ds(k * 16, 16)] = jnp.zeros((16,), jnp.float32)
        return carry
    lax.fori_loop(0, DEG_STRIDE // 16, zero_zrow, 0)

    def fill_ones(k, carry):
        ones_v[pl.ds(k * 16, 16)] = jnp.ones((16,), jnp.float32)
        return carry
    lax.fori_loop(0, 8, fill_ones, 0)

    for t in range(ROWS_PER_TILE // CHUNK):
        pltpu.sync_copy(rows_v, acc_sh.at[pl.ds(s * ROWS_PER_TILE + t * CHUNK, CHUNK)])

    pltpu.sync_copy(zrow_v, deg_sh.at[pl.ds(s * DEG_STRIDE, DEG_STRIDE)])

    pltpu.sync_copy(src_hbm.at[wid], src_v)
    pltpu.sync_copy(dst_hbm.at[wid], dst_v)

    plsc.subcore_barrier()

    def body(j, carry):
        pltpu.async_copy(x_hbm.at[src_v.at[j]], rows_v, gsem).wait()
        pltpu.sync_copy(rows_v, acc_sh.at[dst_v.at[j]], add=True)
        pltpu.sync_copy(ones_v.at[pl.ds(0, CHUNK)], deg_sh.at[dst_v.at[j]], add=True)
        return carry
    lax.fori_loop(0, CHUNKS, body, 0)

    plsc.subcore_barrier()

    pltpu.sync_copy(acc_sh.at[pl.ds(s * ROWS_PER_TILE, ROWS_PER_TILE)],
                    acc_out.at[c, s])
    pltpu.sync_copy(deg_sh.at[pl.ds(s * DEG_STRIDE, DEG_STRIDE)],
                    deg_out.at[c, s])


_sc_aggregate = functools.partial(
    pl.kernel,
    mesh=plsc.VectorSubcoreMesh(core_axis_name="c", subcore_axis_name="s"),
    out_type=[
        jax.ShapeDtypeStruct((NC, NS, ROWS_PER_TILE, D), jnp.float32),
        jax.ShapeDtypeStruct((NC, NS, DEG_STRIDE), jnp.float32),
    ],
    scratch_types=[
        pltpu.VMEM((CHUNKS, CHUNK), jnp.int32),
        pltpu.VMEM((CHUNKS, CHUNK), jnp.int32),
        pltpu.VMEM((CHUNK, D), jnp.float32),
        pltpu.VMEM((D,), jnp.float32),
        pltpu.VMEM((DEG_STRIDE,), jnp.float32),
        pltpu.VMEM_SHARED((N_NODES, D), jnp.float32),
        pltpu.VMEM_SHARED((N_PAD,), jnp.float32),
        pltpu.SemaphoreType.DMA,
    ],
)(_sc_aggregate_body)


BM = 2000


def _finish_body(acc_ref, deg_ref, w_ref, b_ref, o_ref):
    a = acc_ref[0] + acc_ref[1]
    dp = deg_ref[...]
    d = jnp.maximum(dp[:, 0] + dp[:, 1], 1.0)
    y = jnp.dot(a, w_ref[...], preferred_element_type=jnp.float32)
    o_ref[...] = y / d[:, None] + b_ref[...]


def _finish(acc, deg, W, b2):
    return pl.pallas_call(
        _finish_body,
        grid=(N_NODES // BM,),
        in_specs=[
            pl.BlockSpec((NC, BM, D), lambda i: (0, i, 0)),
            pl.BlockSpec((BM, NC), lambda i: (i, 0)),
            pl.BlockSpec((D, D), lambda i: (0, 0)),
            pl.BlockSpec((1, D), lambda i: (0, 0)),
        ],
        out_specs=pl.BlockSpec((BM, D), lambda i: (i, 0)),
        out_shape=jax.ShapeDtypeStruct((N_NODES, D), jnp.float32),
    )(acc, deg, W, b2)


def kernel(x, edge_index, W, b):
    dst = edge_index[0].reshape(NW, CHUNKS, CHUNK)
    src = edge_index[1].reshape(NW, CHUNKS, CHUNK)
    acc, deg = _sc_aggregate(x, src, dst)
    acc = acc.reshape(NC, N_NODES, D)
    deg = deg.reshape(NC, N_PAD)[:, :N_NODES].T
    return _finish(acc, deg, W, b.reshape(1, D))

# --- scband reference (transcript-rebuilt; emitter-appended) ---
"""Pipeline reference for scband-model-8091718385771 (READ-ONLY COPY).

The authoritative reference and input builder live on the scoring server;
editing this copy changes nothing except your own understanding.
"""

import jax, jax.numpy as jnp
import numpy as np

N_NODES = 10000
N_EDGES = 320000
D_IN = 128
D_OUT = 128


def setup_inputs(seed: int = 0) -> dict:
    key = jax.random.key(seed)
    k1, k2, k3, k4 = jax.random.split(key, 4)
    x = jax.random.normal(k1, (N_NODES, D_IN), dtype=jnp.float32)
    edge_index = jax.random.randint(k2, (2, N_EDGES), 0, N_NODES, dtype=jnp.int32)
    W = jax.random.normal(k3, (D_IN, D_OUT), dtype=jnp.float32) * (1.0 / np.sqrt(D_IN))
    b = jax.random.normal(k4, (D_OUT,), dtype=jnp.float32) * 0.01
    return {"x": x, "edge_index": edge_index, "W": W, "b": b}


def reference(x, edge_index, W, b):
    # Message-passing layer over the causal/adjacency graph:
    # transform node features, gather messages along edges from source
    # nodes, scatter-add (mean-normalized) into target nodes, add bias.
    dst = edge_index[0]
    src = edge_index[1]
    h = x @ W                          # node transform
    msgs = jnp.take(h, src, axis=0)    # gather along edges (SparseCore gather)
    agg = jax.ops.segment_sum(msgs, dst, num_segments=N_NODES)  # scatter-add
    deg = jax.ops.segment_sum(jnp.ones((N_EDGES,), dtype=jnp.float32), dst, num_segments=N_NODES)
    out = agg / jnp.clip(deg, 1.0)[:, None] + b
    return out

if __name__ == "__main__":
    import jax
    _d = setup_inputs()
    print(jax.jit(kernel)(*tuple(_d.values())))

</pallas_src>

<mosaic_0001>
#map = affine_map<(d0, d1) -> (0, 0)>
#map1 = affine_map<(d0, d1) -> (0, 0, 0)>
#map2 = affine_map<(d0, d1) -> (0, 0, 0, 0)>
module attributes {stable_mosaic.version = 14 : i64} {
  func.func @_sc_aggregate_body(%arg0: i32, %arg1: i32, %arg2: memref<10000x128xf32, #tpu.memory_space<hbm>>, %arg3: memref<32x80x125xi32, #tpu.memory_space<hbm>>, %arg4: memref<32x80x125xi32, #tpu.memory_space<hbm>>, %arg5: memref<2x16x625x128xf32, #tpu.memory_space<hbm>>, %arg6: memref<2x16x640xf32, #tpu.memory_space<hbm>>, %arg7: memref<80x125xi32, #tpu.memory_space<vmem>>, %arg8: memref<80x125xi32, #tpu.memory_space<vmem>>, %arg9: memref<125x128xf32, #tpu.memory_space<vmem>>, %arg10: memref<128xf32, #tpu.memory_space<vmem>>, %arg11: memref<640xf32, #tpu.memory_space<vmem>>, %arg12: memref<10000x128xf32, #tpu.memory_space<vmem_shared>>, %arg13: memref<10240xf32, #tpu.memory_space<vmem_shared>>, %arg14: memref<!tpu.dma_semaphore, #tpu.memory_space<semaphore_mem>>) attributes {dimension_semantics = [#tpu.dimension_semantics<core_parallel>, #tpu.dimension_semantics<subcore_parallel>], iteration_bounds = array<i64: 2, 16>, scalar_prefetch = 0 : i64, scratch_operands = 8 : i64, tpu.core_type = #tpu.core_type<sc_vector_subcore>, window_params = [{transform_indices = #map}, {transform_indices = #map1}, {transform_indices = #map1}, {transform_indices = #map2}, {transform_indices = #map1}]} {
    %mul3A = arith.constant 16 : i32
    %mul3A_0 = arith.muli %arg0, %mul3A : i32
    %add3A = arith.addi %mul3A_0, %arg1 : i32
    %scan3A = arith.constant 0 : i32
    %scan3A_1 = arith.constant 0 : i32
    %scan3A_2 = arith.constant 1000 : i32
    %scan3A_3 = arith.addi %scan3A_1, %scan3A_2 : i32
    %scan3A_4 = arith.constant 1 : i32
    scf.for %scan3A_51 = %scan3A_1 to %scan3A_3 step %scan3A_4  : i32 {
      %broadcast_in_dim3A = arith.constant 0.000000e+00 : f32
      %broadcast_in_dim3A_52 = vector.broadcast %broadcast_in_dim3A : f32 to vector<16xf32>
      %jit3A = arith.constant 8 : i32
      %div3A = arith.divsi %scan3A_51, %jit3A : i32
      %sign3A = arith.constant 0 : i32
      %sign3A_53 = arith.cmpi sgt, %scan3A_51, %sign3A : i32
      %sign3A_54 = arith.extui %sign3A_53 : i1 to i32
      %sign3A_55 = arith.constant 0 : i32
      %sign3A_56 = arith.cmpi slt, %scan3A_51, %sign3A_55 : i32
      %sign3A_57 = arith.extui %sign3A_56 : i1 to i32
      %sign3A_58 = arith.subi %sign3A_54, %sign3A_57 : i32
      %sign3A_59 = arith.constant 0 : i32
      %sign3A_60 = arith.cmpi sgt, %jit3A, %sign3A_59 : i32
      %sign3A_61 = arith.extui %sign3A_60 : i1 to i32
      %sign3A_62 = arith.constant 0 : i32
      %sign3A_63 = arith.cmpi slt, %jit3A, %sign3A_62 : i32
      %sign3A_64 = arith.extui %sign3A_63 : i1 to i32
      %sign3A_65 = arith.subi %sign3A_61, %sign3A_64 : i32
      %ne3A = arith.cmpi ne, %sign3A_58, %sign3A_65 : i32
      %rem3A = arith.remsi %scan3A_51, %jit3A : i32
      %ne3A_66 = arith.constant 0 : i32
      %ne3A_67 = arith.cmpi ne, %rem3A, %ne3A_66 : i32
      %and3A = arith.andi %ne3A, %ne3A_67 : i1
      %sub3A = arith.constant 1 : i32
      %sub3A_68 = arith.subi %div3A, %sub3A : i32
      %select_n3A = arith.select %and3A, %sub3A_68, %div3A : i32
      %jit3A_69 = arith.constant 8 : i32
      %eq3A = arith.constant 0 : i32
      %eq3A_70 = arith.cmpi eq, %jit3A_69, %eq3A : i32
      %jit3A_71 = arith.constant 1 : i32
      %select_n3A_72 = arith.select %eq3A_70, %jit3A_71, %jit3A_69 : i32
      %rem3A_73 = arith.remsi %scan3A_51, %select_n3A_72 : i32
      %ne3A_74 = arith.constant 0 : i32
      %ne3A_75 = arith.cmpi ne, %rem3A_73, %ne3A_74 : i32
      %lt3A = arith.constant 0 : i32
      %lt3A_76 = arith.cmpi slt, %rem3A_73, %lt3A : i32
      %lt3A_77 = arith.constant 0 : i32
      %lt3A_78 = arith.cmpi slt, %select_n3A_72, %lt3A_77 : i32
      %ne3A_79 = arith.xori %lt3A_76, %lt3A_78 : i1
      %and3A_80 = arith.andi %ne3A_79, %ne3A_75 : i1
      %add3A_81 = arith.addi %rem3A_73, %select_n3A_72 : i32
      %select_n3A_82 = arith.select %and3A_80, %add3A_81, %rem3A_73 : i32
      %mul3A_83 = arith.constant 16 : i32
      %mul3A_84 = arith.muli %select_n3A_82, %mul3A_83 : i32
      %swap3A = arith.index_cast %select_n3A : i32 to index
      %swap3A_85 = arith.index_cast %mul3A_84 : i32 to index
      %swap3A_86 = tpu.vector_load %arg9[%swap3A, %swap3A_85] {strides = array<i32>} : memref<125x128xf32, #tpu.memory_space<vmem>>, vector<1x16xf32>,
      %swap3A_87 = vector.shape_cast %swap3A_86 : vector<1x16xf32> to vector<16xf32>
      %swap3A_88 = vector.shape_cast %broadcast_in_dim3A_52 : vector<16xf32> to vector<1x16xf32>
      tpu.vector_store %arg9[%swap3A, %swap3A_85], %swap3A_88 {strides = array<i32>} : memref<125x128xf32, #tpu.memory_space<vmem>>, vector<1x16xf32>,
    }
    %scan3A_5 = arith.constant 1000 : i32
    %scan3A_6 = arith.constant 0 : i32
    %scan3A_7 = arith.constant 0 : i32
    %scan3A_8 = arith.constant 40 : i32
    %scan3A_9 = arith.addi %scan3A_7, %scan3A_8 : i32
    %scan3A_10 = arith.constant 1 : i32
    scf.for %scan3A_51 = %scan3A_7 to %scan3A_9 step %scan3A_10  : i32 {
      %broadcast_in_dim3A = arith.constant 0.000000e+00 : f32
      %broadcast_in_dim3A_52 = vector.broadcast %broadcast_in_dim3A : f32 to vector<16xf32>
      %mul3A_53 = arith.constant 16 : i32
      %mul3A_54 = arith.muli %scan3A_51, %mul3A_53 : i32
      %swap3A = arith.index_cast %mul3A_54 : i32 to index
      %swap3A_55 = tpu.vector_load %arg11[%swap3A] {strides = array<i32>} : memref<640xf32, #tpu.memory_space<vmem>>, vector<16xf32>,
      %swap3A_56 = vector.shape_cast %swap3A_55 : vector<16xf32> to vector<16xf32>
      %swap3A_57 = vector.shape_cast %broadcast_in_dim3A_52 : vector<16xf32> to vector<16xf32>
      tpu.vector_store %arg11[%swap3A], %swap3A_57 {strides = array<i32>} : memref<640xf32, #tpu.memory_space<vmem>>, vector<16xf32>,
    }
    %scan3A_11 = arith.constant 40 : i32
    %scan3A_12 = arith.constant 0 : i32
    %scan3A_13 = arith.constant 0 : i32
    %scan3A_14 = arith.constant 8 : i32
    %scan3A_15 = arith.addi %scan3A_13, %scan3A_14 : i32
    %scan3A_16 = arith.constant 1 : i32
    scf.for %scan3A_51 = %scan3A_13 to %scan3A_15 step %scan3A_16  : i32 {
      %broadcast_in_dim3A = arith.constant 1.000000e+00 : f32
      %broadcast_in_dim3A_52 = vector.broadcast %broadcast_in_dim3A : f32 to vector<16xf32>
      %mul3A_53 = arith.constant 16 : i32
      %mul3A_54 = arith.muli %scan3A_51, %mul3A_53 : i32
      %swap3A = arith.index_cast %mul3A_54 : i32 to index
      %swap3A_55 = tpu.vector_load %arg10[%swap3A] {strides = array<i32>} : memref<128xf32, #tpu.memory_space<vmem>>, vector<16xf32>,
      %swap3A_56 = vector.shape_cast %swap3A_55 : vector<16xf32> to vector<16xf32>
      %swap3A_57 = vector.shape_cast %broadcast_in_dim3A_52 : vector<16xf32> to vector<16xf32>
      tpu.vector_store %arg10[%swap3A], %swap3A_57 {strides = array<i32>} : memref<128xf32, #tpu.memory_space<vmem>>, vector<16xf32>,
    }
    %scan3A_17 = arith.constant 8 : i32
    %mul3A_18 = arith.constant 625 : i32
    %mul3A_19 = arith.muli %arg1, %mul3A_18 : i32
    %add3A_20 = arith.constant 0 : i32
    %add3A_21 = arith.addi %mul3A_19, %add3A_20 : i32
    "tpu.region"() ({
      %run_scoped3A = tpu.sem_alloc : memref<!tpu.dma_semaphore, #tpu.memory_space<semaphore_mem>>
      %dma_start3A = arith.constant 0 : i32
      %dma_start3A_51 = tpu.memref_slice %arg12[%add3A_21, %dma_start3A] : memref<10000x128xf32, #tpu.memory_space<vmem_shared>> -> memref<125x128xf32, #tpu.memory_space<vmem_shared>>
      %dma_start3A_52 = arith.constant 0 : i32
      %dma_start3A_53 = tpu.memref_slice %arg12[%add3A_21, %dma_start3A_52] : memref<10000x128xf32, #tpu.memory_space<vmem_shared>> -> memref<125x128xf32, #tpu.memory_space<vmem_shared>>
      tpu.enqueue_dma source(%arg9 : memref<125x128xf32, #tpu.memory_space<vmem>>) target(%dma_start3A_53 : memref<125x128xf32, #tpu.memory_space<vmem_shared>>) target_semaphore(%run_scoped3A : memref<!tpu.dma_semaphore, #tpu.memory_space<semaphore_mem>>)
      %dma_wait3A = arith.constant 0 : i32
      %dma_wait3A_54 = tpu.memref_slice %arg12[%add3A_21, %dma_wait3A] : memref<10000x128xf32, #tpu.memory_space<vmem_shared>> -> memref<125x128xf32, #tpu.memory_space<vmem_shared>>
      %dma_wait3A_55 = arith.constant 0 : i32
      %dma_wait3A_56 = tpu.memref_slice %arg12[%add3A_21, %dma_wait3A_55] : memref<10000x128xf32, #tpu.memory_space<vmem_shared>> -> memref<125x128xf32, #tpu.memory_space<vmem_shared>>
      tpu.wait_dma2 semaphore(%run_scoped3A : memref<!tpu.dma_semaphore, #tpu.memory_space<semaphore_mem>>) src(%arg9 : memref<125x128xf32, #tpu.memory_space<vmem>>) dst(%dma_wait3A_56 : memref<125x128xf32, #tpu.memory_space<vmem_shared>>)
      tpu.yield
    }) : () -> ()
    %mul3A_22 = arith.constant 625 : i32
    %mul3A_23 = arith.muli %arg1, %mul3A_22 : i32
    %add3A_24 = arith.constant 125 : i32
    %add3A_25 = arith.addi %mul3A_23, %add3A_24 : i32
    "tpu.region"() ({
      %run_scoped3A = tpu.sem_alloc : memref<!tpu.dma_semaphore, #tpu.memory_space<semaphore_mem>>
      %dma_start3A = arith.constant 0 : i32
      %dma_start3A_51 = tpu.memref_slice %arg12[%add3A_25, %dma_start3A] : memref<10000x128xf32, #tpu.memory_space<vmem_shared>> -> memref<125x128xf32, #tpu.memory_space<vmem_shared>>
      %dma_start3A_52 = arith.constant 0 : i32
      %dma_start3A_53 = tpu.memref_slice %arg12[%add3A_25, %dma_start3A_52] : memref<10000x128xf32, #tpu.memory_space<vmem_shared>> -> memref<125x128xf32, #tpu.memory_space<vmem_shared>>
      tpu.enqueue_dma source(%arg9 : memref<125x128xf32, #tpu.memory_space<vmem>>) target(%dma_start3A_53 : memref<125x128xf32, #tpu.memory_space<vmem_shared>>) target_semaphore(%run_scoped3A : memref<!tpu.dma_semaphore, #tpu.memory_space<semaphore_mem>>)
      %dma_wait3A = arith.constant 0 : i32
      %dma_wait3A_54 = tpu.memref_slice %arg12[%add3A_25, %dma_wait3A] : memref<10000x128xf32, #tpu.memory_space<vmem_shared>> -> memref<125x128xf32, #tpu.memory_space<vmem_shared>>
      %dma_wait3A_55 = arith.constant 0 : i32
      %dma_wait3A_56 = tpu.memref_slice %arg12[%add3A_25, %dma_wait3A_55] : memref<10000x128xf32, #tpu.memory_space<vmem_shared>> -> memref<125x128xf32, #tpu.memory_space<vmem_shared>>
      tpu.wait_dma2 semaphore(%run_scoped3A : memref<!tpu.dma_semaphore, #tpu.memory_space<semaphore_mem>>) src(%arg9 : memref<125x128xf32, #tpu.memory_space<vmem>>) dst(%dma_wait3A_56 : memref<125x128xf32, #tpu.memory_space<vmem_shared>>)
      tpu.yield
    }) : () -> ()
    %mul3A_26 = arith.constant 625 : i32
    %mul3A_27 = arith.muli %arg1, %mul3A_26 : i32
    %add3A_28 = arith.constant 250 : i32
    %add3A_29 = arith.addi %mul3A_27, %add3A_28 : i32
    "tpu.region"() ({
      %run_scoped3A = tpu.sem_alloc : memref<!tpu.dma_semaphore, #tpu.memory_space<semaphore_mem>>
      %dma_start3A = arith.constant 0 : i32
      %dma_start3A_51 = tpu.memref_slice %arg12[%add3A_29, %dma_start3A] : memref<10000x128xf32, #tpu.memory_space<vmem_shared>> -> memref<125x128xf32, #tpu.memory_space<vmem_shared>>
      %dma_start3A_52 = arith.constant 0 : i32
      %dma_start3A_53 = tpu.memref_slice %arg12[%add3A_29, %dma_start3A_52] : memref<10000x128xf32, #tpu.memory_space<vmem_shared>> -> memref<125x128xf32, #tpu.memory_space<vmem_shared>>
      tpu.enqueue_dma source(%arg9 : memref<125x128xf32, #tpu.memory_space<vmem>>) target(%dma_start3A_53 : memref<125x128xf32, #tpu.memory_space<vmem_shared>>) target_semaphore(%run_scoped3A : memref<!tpu.dma_semaphore, #tpu.memory_space<semaphore_mem>>)
      %dma_wait3A = arith.constant 0 : i32
      %dma_wait3A_54 = tpu.memref_slice %arg12[%add3A_29, %dma_wait3A] : memref<10000x128xf32, #tpu.memory_space<vmem_shared>> -> memref<125x128xf32, #tpu.memory_space<vmem_shared>>
      %dma_wait3A_55 = arith.constant 0 : i32
      %dma_wait3A_56 = tpu.memref_slice %arg12[%add3A_29, %dma_wait3A_55] : memref<10000x128xf32, #tpu.memory_space<vmem_shared>> -> memref<125x128xf32, #tpu.memory_space<vmem_shared>>
      tpu.wait_dma2 semaphore(%run_scoped3A : memref<!tpu.dma_semaphore, #tpu.memory_space<semaphore_mem>>) src(%arg9 : memref<125x128xf32, #tpu.memory_space<vmem>>) dst(%dma_wait3A_56 : memref<125x128xf32, #tpu.memory_space<vmem_shared>>)
      tpu.yield
    }) : () -> ()
    %mul3A_30 = arith.constant 625 : i32
    %mul3A_31 = arith.muli %arg1, %mul3A_30 : i32
    %add3A_32 = arith.constant 375 : i32
    %add3A_33 = arith.addi %mul3A_31, %add3A_32 : i32
    "tpu.region"() ({
      %run_scoped3A = tpu.sem_alloc : memref<!tpu.dma_semaphore, #tpu.memory_space<semaphore_mem>>
      %dma_start3A = arith.constant 0 : i32
      %dma_start3A_51 = tpu.memref_slice %arg12[%add3A_33, %dma_start3A] : memref<10000x128xf32, #tpu.memory_space<vmem_shared>> -> memref<125x128xf32, #tpu.memory_space<vmem_shared>>
      %dma_start3A_52 = arith.constant 0 : i32
      %dma_start3A_53 = tpu.memref_slice %arg12[%add3A_33, %dma_start3A_52] : memref<10000x128xf32, #tpu.memory_space<vmem_shared>> -> memref<125x128xf32, #tpu.memory_space<vmem_shared>>
      tpu.enqueue_dma source(%arg9 : memref<125x128xf32, #tpu.memory_space<vmem>>) target(%dma_start3A_53 : memref<125x128xf32, #tpu.memory_space<vmem_shared>>) target_semaphore(%run_scoped3A : memref<!tpu.dma_semaphore, #tpu.memory_space<semaphore_mem>>)
      %dma_wait3A = arith.constant 0 : i32
      %dma_wait3A_54 = tpu.memref_slice %arg12[%add3A_33, %dma_wait3A] : memref<10000x128xf32, #tpu.memory_space<vmem_shared>> -> memref<125x128xf32, #tpu.memory_space<vmem_shared>>
      %dma_wait3A_55 = arith.constant 0 : i32
      %dma_wait3A_56 = tpu.memref_slice %arg12[%add3A_33, %dma_wait3A_55] : memref<10000x128xf32, #tpu.memory_space<vmem_shared>> -> memref<125x128xf32, #tpu.memory_space<vmem_shared>>
      tpu.wait_dma2 semaphore(%run_scoped3A : memref<!tpu.dma_semaphore, #tpu.memory_space<semaphore_mem>>) src(%arg9 : memref<125x128xf32, #tpu.memory_space<vmem>>) dst(%dma_wait3A_56 : memref<125x128xf32, #tpu.memory_space<vmem_shared>>)
      tpu.yield
    }) : () -> ()
    %mul3A_34 = arith.constant 625 : i32
    %mul3A_35 = arith.muli %arg1, %mul3A_34 : i32
    %add3A_36 = arith.constant 500 : i32
    %add3A_37 = arith.addi %mul3A_35, %add3A_36 : i32
    "tpu.region"() ({
      %run_scoped3A = tpu.sem_alloc : memref<!tpu.dma_semaphore, #tpu.memory_space<semaphore_mem>>
      %dma_start3A = arith.constant 0 : i32
      %dma_start3A_51 = tpu.memref_slice %arg12[%add3A_37, %dma_start3A] : memref<10000x128xf32, #tpu.memory_space<vmem_shared>> -> memref<125x128xf32, #tpu.memory_space<vmem_shared>>
      %dma_start3A_52 = arith.constant 0 : i32
      %dma_start3A_53 = tpu.memref_slice %arg12[%add3A_37, %dma_start3A_52] : memref<10000x128xf32, #tpu.memory_space<vmem_shared>> -> memref<125x128xf32, #tpu.memory_space<vmem_shared>>
      tpu.enqueue_dma source(%arg9 : memref<125x128xf32, #tpu.memory_space<vmem>>) target(%dma_start3A_53 : memref<125x128xf32, #tpu.memory_space<vmem_shared>>) target_semaphore(%run_scoped3A : memref<!tpu.dma_semaphore, #tpu.memory_space<semaphore_mem>>)
      %dma_wait3A = arith.constant 0 : i32
      %dma_wait3A_54 = tpu.memref_slice %arg12[%add3A_37, %dma_wait3A] : memref<10000x128xf32, #tpu.memory_space<vmem_shared>> -> memref<125x128xf32, #tpu.memory_space<vmem_shared>>
      %dma_wait3A_55 = arith.constant 0 : i32
      %dma_wait3A_56 = tpu.memref_slice %arg12[%add3A_37, %dma_wait3A_55] : memref<10000x128xf32, #tpu.memory_space<vmem_shared>> -> memref<125x128xf32, #tpu.memory_space<vmem_shared>>
      tpu.wait_dma2 semaphore(%run_scoped3A : memref<!tpu.dma_semaphore, #tpu.memory_space<semaphore_mem>>) src(%arg9 : memref<125x128xf32, #tpu.memory_space<vmem>>) dst(%dma_wait3A_56 : memref<125x128xf32, #tpu.memory_space<vmem_shared>>)
      tpu.yield
    }) : () -> ()
    %mul3A_38 = arith.constant 640 : i32
    %mul3A_39 = arith.muli %arg1, %mul3A_38 : i32
    "tpu.region"() ({
      %run_scoped3A = tpu.sem_alloc : memref<!tpu.dma_semaphore, #tpu.memory_space<semaphore_mem>>
      %dma_start3A = tpu.memref_slice %arg13[%mul3A_39] : memref<10240xf32, #tpu.memory_space<vmem_shared>> -> memref<640xf32, #tpu.memory_space<vmem_shared>>
      %dma_start3A_51 = tpu.memref_slice %arg13[%mul3A_39] : memref<10240xf32, #tpu.memory_space<vmem_shared>> -> memref<640xf32, #tpu.memory_space<vmem_shared>>
      tpu.enqueue_dma source(%arg11 : memref<640xf32, #tpu.memory_space<vmem>>) target(%dma_start3A_51 : memref<640xf32, #tpu.memory_space<vmem_shared>>) target_semaphore(%run_scoped3A : memref<!tpu.dma_semaphore, #tpu.memory_space<semaphore_mem>>)
      %dma_wait3A = tpu.memref_slice %arg13[%mul3A_39] : memref<10240xf32, #tpu.memory_space<vmem_shared>> -> memref<640xf32, #tpu.memory_space<vmem_shared>>
      %dma_wait3A_52 = tpu.memref_slice %arg13[%mul3A_39] : memref<10240xf32, #tpu.memory_space<vmem_shared>> -> memref<640xf32, #tpu.memory_space<vmem_shared>>
      tpu.wait_dma2 semaphore(%run_scoped3A : memref<!tpu.dma_semaphore, #tpu.memory_space<semaphore_mem>>) src(%arg11 : memref<640xf32, #tpu.memory_space<vmem>>) dst(%dma_wait3A_52 : memref<640xf32, #tpu.memory_space<vmem_shared>>)
      tpu.yield
    }) : () -> ()
    "tpu.region"() ({
      %run_scoped3A = tpu.sem_alloc : memref<!tpu.dma_semaphore, #tpu.memory_space<semaphore_mem>>
      %dma_start3A = arith.constant 0 : i32
      %dma_start3A_51 = arith.constant 0 : i32
      %dma_start3A_52 = tpu.memref_slice %arg3[%add3A, %dma_start3A, %dma_start3A_51] : memref<32x80x125xi32, #tpu.memory_space<hbm>> -> memref<1x80x125xi32, #tpu.memory_space<hbm>>
      %dma_start3A_53 = tpu.memref_squeeze %dma_start3A_52 : memref<1x80x125xi32, #tpu.memory_space<hbm>> -> memref<80x125xi32, #tpu.memory_space<hbm>>
      %dma_start3A_54 = arith.constant 0 : i32
      %dma_start3A_55 = arith.constant 0 : i32
      %dma_start3A_56 = tpu.memref_slice %arg3[%add3A, %dma_start3A_54, %dma_start3A_55] : memref<32x80x125xi32, #tpu.memory_space<hbm>> -> memref<1x80x125xi32, #tpu.memory_space<hbm>>
      %dma_start3A_57 = tpu.memref_squeeze %dma_start3A_56 : memref<1x80x125xi32, #tpu.memory_space<hbm>> -> memref<80x125xi32, #tpu.memory_space<hbm>>
      tpu.enqueue_dma source(%dma_start3A_57 : memref<80x125xi32, #tpu.memory_space<hbm>>) target(%arg7 : memref<80x125xi32, #tpu.memory_space<vmem>>) target_semaphore(%run_scoped3A : memref<!tpu.dma_semaphore, #tpu.memory_space<semaphore_mem>>)
      %dma_wait3A = arith.constant 0 : i32
      %dma_wait3A_58 = arith.constant 0 : i32
      %dma_wait3A_59 = tpu.memref_slice %arg3[%add3A, %dma_wait3A, %dma_wait3A_58] : memref<32x80x125xi32, #tpu.memory_space<hbm>> -> memref<1x80x125xi32, #tpu.memory_space<hbm>>
      %dma_wait3A_60 = tpu.memref_squeeze %dma_wait3A_59 : memref<1x80x125xi32, #tpu.memory_space<hbm>> -> memref<80x125xi32, #tpu.memory_space<hbm>>
      %dma_wait3A_61 = arith.constant 0 : i32
      %dma_wait3A_62 = arith.constant 0 : i32
      %dma_wait3A_63 = tpu.memref_slice %arg3[%add3A, %dma_wait3A_61, %dma_wait3A_62] : memref<32x80x125xi32, #tpu.memory_space<hbm>> -> memref<1x80x125xi32, #tpu.memory_space<hbm>>
      %dma_wait3A_64 = tpu.memref_squeeze %dma_wait3A_63 : memref<1x80x125xi32, #tpu.memory_space<hbm>> -> memref<80x125xi32, #tpu.memory_space<hbm>>
      tpu.wait_dma2 semaphore(%run_scoped3A : memref<!tpu.dma_semaphore, #tpu.memory_space<semaphore_mem>>) src(%dma_wait3A_64 : memref<80x125xi32, #tpu.memory_space<hbm>>) dst(%arg7 : memref<80x125xi32, #tpu.memory_space<vmem>>)
      tpu.yield
    }) : () -> ()
    "tpu.region"() ({
      %run_scoped3A = tpu.sem_alloc : memref<!tpu.dma_semaphore, #tpu.memory_space<semaphore_mem>>
      %dma_start3A = arith.constant 0 : i32
      %dma_start3A_51 = arith.constant 0 : i32
      %dma_start3A_52 = tpu.memref_slice %arg4[%add3A, %dma_start3A, %dma_start3A_51] : memref<32x80x125xi32, #tpu.memory_space<hbm>> -> memref<1x80x125xi32, #tpu.memory_space<hbm>>
      %dma_start3A_53 = tpu.memref_squeeze %dma_start3A_52 : memref<1x80x125xi32, #tpu.memory_space<hbm>> -> memref<80x125xi32, #tpu.memory_space<hbm>>
      %dma_start3A_54 = arith.constant 0 : i32
      %dma_start3A_55 = arith.constant 0 : i32
      %dma_start3A_56 = tpu.memref_slice %arg4[%add3A, %dma_start3A_54, %dma_start3A_55] : memref<32x80x125xi32, #tpu.memory_space<hbm>> -> memref<1x80x125xi32, #tpu.memory_space<hbm>>
      %dma_start3A_57 = tpu.memref_squeeze %dma_start3A_56 : memref<1x80x125xi32, #tpu.memory_space<hbm>> -> memref<80x125xi32, #tpu.memory_space<hbm>>
      tpu.enqueue_dma source(%dma_start3A_57 : memref<80x125xi32, #tpu.memory_space<hbm>>) target(%arg8 : memref<80x125xi32, #tpu.memory_space<vmem>>) target_semaphore(%run_scoped3A : memref<!tpu.dma_semaphore, #tpu.memory_space<semaphore_mem>>)
      %dma_wait3A = arith.constant 0 : i32
      %dma_wait3A_58 = arith.constant 0 : i32
      %dma_wait3A_59 = tpu.memref_slice %arg4[%add3A, %dma_wait3A, %dma_wait3A_58] : memref<32x80x125xi32, #tpu.memory_space<hbm>> -> memref<1x80x125xi32, #tpu.memory_space<hbm>>
      %dma_wait3A_60 = tpu.memref_squeeze %dma_wait3A_59 : memref<1x80x125xi32, #tpu.memory_space<hbm>> -> memref<80x125xi32, #tpu.memory_space<hbm>>
      %dma_wait3A_61 = arith.constant 0 : i32
      %dma_wait3A_62 = arith.constant 0 : i32
      %dma_wait3A_63 = tpu.memref_slice %arg4[%add3A, %dma_wait3A_61, %dma_wait3A_62] : memref<32x80x125xi32, #tpu.memory_space<hbm>> -> memref<1x80x125xi32, #tpu.memory_space<hbm>>
      %dma_wait3A_64 = tpu.memref_squeeze %dma_wait3A_63 : memref<1x80x125xi32, #tpu.memory_space<hbm>> -> memref<80x125xi32, #tpu.memory_space<hbm>>
      tpu.wait_dma2 semaphore(%run_scoped3A : memref<!tpu.dma_semaphore, #tpu.memory_space<semaphore_mem>>) src(%dma_wait3A_64 : memref<80x125xi32, #tpu.memory_space<hbm>>) dst(%arg8 : memref<80x125xi32, #tpu.memory_space<vmem>>)
      tpu.yield
    }) : () -> ()
    %barrier3A = arith.constant 0 : index
    tpu.barrier barrier_id(%barrier3A)
    %scan3A_40 = arith.constant 0 : i32
    %scan3A_41 = arith.constant 0 : i32
    %scan3A_42 = arith.constant 80 : i32
    %scan3A_43 = arith.addi %scan3A_41, %scan3A_42 : i32
    %scan3A_44 = arith.constant 1 : i32
    scf.for %scan3A_51 = %scan3A_41 to %scan3A_43 step %scan3A_44  : i32 {
      %dma_start3A = arith.constant 0 : i32
      %dma_start3A_52 = tpu.memref_slice %arg7[%scan3A_51, %dma_start3A] : memref<80x125xi32, #tpu.memory_space<vmem>> -> memref<1x125xi32, #tpu.memory_space<vmem>>
      %dma_start3A_53 = tpu.memref_squeeze %dma_start3A_52 : memref<1x125xi32, #tpu.memory_space<vmem>> -> memref<125xi32, #tpu.memory_space<vmem>>
      %dma_start3A_54 = arith.constant 0 : i32
      %dma_start3A_55 = arith.constant 0 : i32
      %dma_start3A_56 = tpu.memref_slice %arg2[%dma_start3A_54, %dma_start3A_55] : memref<10000x128xf32, #tpu.memory_space<hbm>> -> memref<10000x128xf32, #tpu.memory_space<hbm>>
      tpu.enqueue_indirect_dma source(%dma_start3A_56 : memref<10000x128xf32, #tpu.memory_space<hbm>>) target(%arg9 : memref<125x128xf32, #tpu.memory_space<vmem>>) offsets(%dma_start3A_53 : memref<125xi32, #tpu.memory_space<vmem>>) semaphore(%arg14 : memref<!tpu.dma_semaphore, #tpu.memory_space<semaphore_mem>>)
      %dma_wait3A = arith.constant 0 : i32
      %dma_wait3A_57 = tpu.memref_slice %arg7[%scan3A_51, %dma_wait3A] : memref<80x125xi32, #tpu.memory_space<vmem>> -> memref<1x125xi32, #tpu.memory_space<vmem>>
      %dma_wait3A_58 = tpu.memref_squeeze %dma_wait3A_57 : memref<1x125xi32, #tpu.memory_space<vmem>> -> memref<125xi32, #tpu.memory_space<vmem>>
      %dma_wait3A_59 = arith.constant 0 : i32
      %dma_wait3A_60 = arith.constant 0 : i32
      %dma_wait3A_61 = tpu.memref_slice %arg2[%dma_wait3A_59, %dma_wait3A_60] : memref<10000x128xf32, #tpu.memory_space<hbm>> -> memref<10000x128xf32, #tpu.memory_space<hbm>>
      tpu.wait_indirect_dma semaphore(%arg14 : memref<!tpu.dma_semaphore, #tpu.memory_space<semaphore_mem>>) src(%dma_wait3A_61 : memref<10000x128xf32, #tpu.memory_space<hbm>>) dst(%arg9 : memref<125x128xf32, #tpu.memory_space<vmem>>)
      "tpu.region"() ({
        %run_scoped3A = tpu.sem_alloc : memref<!tpu.dma_semaphore, #tpu.memory_space<semaphore_mem>>
        %dma_start3A_62 = arith.constant 0 : i32
        %dma_start3A_63 = tpu.memref_slice %arg8[%scan3A_51, %dma_start3A_62] : memref<80x125xi32, #tpu.memory_space<vmem>> -> memref<1x125xi32, #tpu.memory_space<vmem>>
        %dma_start3A_64 = tpu.memref_squeeze %dma_start3A_63 : memref<1x125xi32, #tpu.memory_space<vmem>> -> memref<125xi32, #tpu.memory_space<vmem>>
        %dma_start3A_65 = arith.constant 0 : i32
        %dma_start3A_66 = arith.constant 0 : i32
        %dma_start3A_67 = tpu.memref_slice %arg12[%dma_start3A_65, %dma_start3A_66] : memref<10000x128xf32, #tpu.memory_space<vmem_shared>> -> memref<10000x128xf32, #tpu.memory_space<vmem_shared>>
        tpu.enqueue_indirect_dma source(%arg9 : memref<125x128xf32, #tpu.memory_space<vmem>>) target(%dma_start3A_67 : memref<10000x128xf32, #tpu.memory_space<vmem_shared>>) offsets(%dma_start3A_64 : memref<125xi32, #tpu.memory_space<vmem>>) semaphore(%run_scoped3A : memref<!tpu.dma_semaphore, #tpu.memory_space<semaphore_mem>>) {add = true}
        %dma_wait3A_68 = arith.constant 0 : i32
        %dma_wait3A_69 = tpu.memref_slice %arg8[%scan3A_51, %dma_wait3A_68] : memref<80x125xi32, #tpu.memory_space<vmem>> -> memref<1x125xi32, #tpu.memory_space<vmem>>
        %dma_wait3A_70 = tpu.memref_squeeze %dma_wait3A_69 : memref<1x125xi32, #tpu.memory_space<vmem>> -> memref<125xi32, #tpu.memory_space<vmem>>
        %dma_wait3A_71 = arith.constant 0 : i32
        %dma_wait3A_72 = arith.constant 0 : i32
        %dma_wait3A_73 = tpu.memref_slice %arg12[%dma_wait3A_71, %dma_wait3A_72] : memref<10000x128xf32, #tpu.memory_space<vmem_shared>> -> memref<10000x128xf32, #tpu.memory_space<vmem_shared>>
        tpu.wait_indirect_dma semaphore(%run_scoped3A : memref<!tpu.dma_semaphore, #tpu.memory_space<semaphore_mem>>) src(%arg9 : memref<125x128xf32, #tpu.memory_space<vmem>>) dst(%dma_wait3A_73 : memref<10000x128xf32, #tpu.memory_space<vmem_shared>>)
        tpu.yield
      }) : () -> ()
      "tpu.region"() ({
        %run_scoped3A = tpu.sem_alloc : memref<!tpu.dma_semaphore, #tpu.memory_space<semaphore_mem>>
        %dma_start3A_62 = arith.constant 0 : i32
        %dma_start3A_63 = tpu.memref_slice %arg10[%dma_start3A_62] : memref<128xf32, #tpu.memory_space<vmem>> -> memref<125xf32, #tpu.memory_space<vmem>>
        %dma_start3A_64 = arith.constant 0 : i32
        %dma_start3A_65 = tpu.memref_slice %arg8[%scan3A_51, %dma_start3A_64] : memref<80x125xi32, #tpu.memory_space<vmem>> -> memref<1x125xi32, #tpu.memory_space<vmem>>
        %dma_start3A_66 = tpu.memref_squeeze %dma_start3A_65 : memref<1x125xi32, #tpu.memory_space<vmem>> -> memref<125xi32, #tpu.memory_space<vmem>>
        %dma_start3A_67 = arith.constant 0 : i32
        %dma_start3A_68 = tpu.memref_slice %arg13[%dma_start3A_67] : memref<10240xf32, #tpu.memory_space<vmem_shared>> -> memref<10240xf32, #tpu.memory_space<vmem_shared>>
        tpu.enqueue_indirect_dma source(%dma_start3A_63 : memref<125xf32, #tpu.memory_space<vmem>>) target(%dma_start3A_68 : memref<10240xf32, #tpu.memory_space<vmem_shared>>) offsets(%dma_start3A_66 : memref<125xi32, #tpu.memory_space<vmem>>) semaphore(%run_scoped3A : memref<!tpu.dma_semaphore, #tpu.memory_space<semaphore_mem>>) {add = true}
        %dma_wait3A_69 = arith.constant 0 : i32
        %dma_wait3A_70 = tpu.memref_slice %arg10[%dma_wait3A_69] : memref<128xf32, #tpu.memory_space<vmem>> -> memref<125xf32, #tpu.memory_space<vmem>>
        %dma_wait3A_71 = arith.constant 0 : i32
        %dma_wait3A_72 = tpu.memref_slice %arg8[%scan3A_51, %dma_wait3A_71] : memref<80x125xi32, #tpu.memory_space<vmem>> -> memref<1x125xi32, #tpu.memory_space<vmem>>
        %dma_wait3A_73 = tpu.memref_squeeze %dma_wait3A_72 : memref<1x125xi32, #tpu.memory_space<vmem>> -> memref<125xi32, #tpu.memory_space<vmem>>
        %dma_wait3A_74 = arith.constant 0 : i32
        %dma_wait3A_75 = tpu.memref_slice %arg13[%dma_wait3A_74] : memref<10240xf32, #tpu.memory_space<vmem_shared>> -> memref<10240xf32, #tpu.memory_space<vmem_shared>>
        tpu.wait_indirect_dma semaphore(%run_scoped3A : memref<!tpu.dma_semaphore, #tpu.memory_space<semaphore_mem>>) src(%dma_wait3A_70 : memref<125xf32, #tpu.memory_space<vmem>>) dst(%dma_wait3A_75 : memref<10240xf32, #tpu.memory_space<vmem_shared>>)
        tpu.yield
      }) : () -> ()
    }
    %scan3A_45 = arith.constant 80 : i32
    %barrier3A_46 = arith.constant 0 : index
    tpu.barrier barrier_id(%barrier3A_46)
    %mul3A_47 = arith.constant 625 : i32
    %mul3A_48 = arith.muli %arg1, %mul3A_47 : i32
    "tpu.region"() ({
      %run_scoped3A = tpu.sem_alloc : memref<!tpu.dma_semaphore, #tpu.memory_space<semaphore_mem>>
      %dma_start3A = arith.constant 0 : i32
      %dma_start3A_51 = arith.constant 0 : i32
      %dma_start3A_52 = tpu.memref_slice %arg5[%arg0, %arg1, %dma_start3A, %dma_start3A_51] : memref<2x16x625x128xf32, #tpu.memory_space<hbm>> -> memref<1x1x625x128xf32, #tpu.memory_space<hbm>>
      %dma_start3A_53 = tpu.memref_squeeze %dma_start3A_52 : memref<1x1x625x128xf32, #tpu.memory_space<hbm>> -> memref<625x128xf32, #tpu.memory_space<hbm>>
      %dma_start3A_54 = arith.constant 0 : i32
      %dma_start3A_55 = tpu.memref_slice %arg12[%mul3A_48, %dma_start3A_54] : memref<10000x128xf32, #tpu.memory_space<vmem_shared>> -> memref<625x128xf32, #tpu.memory_space<vmem_shared>>
      tpu.enqueue_dma source(%dma_start3A_55 : memref<625x128xf32, #tpu.memory_space<vmem_shared>>) target(%dma_start3A_53 : memref<625x128xf32, #tpu.memory_space<hbm>>) target_semaphore(%run_scoped3A : memref<!tpu.dma_semaphore, #tpu.memory_space<semaphore_mem>>)
      %dma_wait3A = arith.constant 0 : i32
      %dma_wait3A_56 = arith.constant 0 : i32
      %dma_wait3A_57 = tpu.memref_slice %arg5[%arg0, %arg1, %dma_wait3A, %dma_wait3A_56] : memref<2x16x625x128xf32, #tpu.memory_space<hbm>> -> memref<1x1x625x128xf32, #tpu.memory_space<hbm>>
      %dma_wait3A_58 = tpu.memref_squeeze %dma_wait3A_57 : memref<1x1x625x128xf32, #tpu.memory_space<hbm>> -> memref<625x128xf32, #tpu.memory_space<hbm>>
      %dma_wait3A_59 = arith.constant 0 : i32
      %dma_wait3A_60 = tpu.memref_slice %arg12[%mul3A_48, %dma_wait3A_59] : memref<10000x128xf32, #tpu.memory_space<vmem_shared>> -> memref<625x128xf32, #tpu.memory_space<vmem_shared>>
      tpu.wait_dma2 semaphore(%run_scoped3A : memref<!tpu.dma_semaphore, #tpu.memory_space<semaphore_mem>>) src(%dma_wait3A_60 : memref<625x128xf32, #tpu.memory_space<vmem_shared>>) dst(%dma_wait3A_58 : memref<625x128xf32, #tpu.memory_space<hbm>>)
      tpu.yield
    }) : () -> ()
    %mul3A_49 = arith.constant 640 : i32
    %mul3A_50 = arith.muli %arg1, %mul3A_49 : i32
    "tpu.region"() ({
      %run_scoped3A = tpu.sem_alloc : memref<!tpu.dma_semaphore, #tpu.memory_space<semaphore_mem>>
      %dma_start3A = arith.constant 0 : i32
      %dma_start3A_51 = tpu.memref_slice %arg6[%arg0, %arg1, %dma_start3A] : memref<2x16x640xf32, #tpu.memory_space<hbm>> -> memref<1x1x640xf32, #tpu.memory_space<hbm>>
      %dma_start3A_52 = tpu.memref_squeeze %dma_start3A_51 : memref<1x1x640xf32, #tpu.memory_space<hbm>> -> memref<640xf32, #tpu.memory_space<hbm>>
      %dma_start3A_53 = tpu.memref_slice %arg13[%mul3A_50] : memref<10240xf32, #tpu.memory_space<vmem_shared>> -> memref<640xf32, #tpu.memory_space<vmem_shared>>
      tpu.enqueue_dma source(%dma_start3A_53 : memref<640xf32, #tpu.memory_space<vmem_shared>>) target(%dma_start3A_52 : memref<640xf32, #tpu.memory_space<hbm>>) target_semaphore(%run_scoped3A : memref<!tpu.dma_semaphore, #tpu.memory_space<semaphore_mem>>)
      %dma_wait3A = arith.constant 0 : i32
      %dma_wait3A_54 = tpu.memref_slice %arg6[%arg0, %arg1, %dma_wait3A] : memref<2x16x640xf32, #tpu.memory_space<hbm>> -> memref<1x1x640xf32, #tpu.memory_space<hbm>>
      %dma_wait3A_55 = tpu.memref_squeeze %dma_wait3A_54 : memref<1x1x640xf32, #tpu.memory_space<hbm>> -> memref<640xf32, #tpu.memory_space<hbm>>
      %dma_wait3A_56 = tpu.memref_slice %arg13[%mul3A_50] : memref<10240xf32, #tpu.memory_space<vmem_shared>> -> memref<640xf32, #tpu.memory_space<vmem_shared>>
      tpu.wait_dma2 semaphore(%run_scoped3A : memref<!tpu.dma_semaphore, #tpu.memory_space<semaphore_mem>>) src(%dma_wait3A_56 : memref<640xf32, #tpu.memory_space<vmem_shared>>) dst(%dma_wait3A_55 : memref<640xf32, #tpu.memory_space<hbm>>)
      tpu.yield
    }) : () -> ()
    return
  }
}

module attributes {stable_mosaic.version = 14 : i64} {
  func.func @_finish_body(%arg0: i32, %arg1: memref<2x2000x128xf32, #tpu.memory_space<vmem>>, %arg2: memref<2000x2xf32, #tpu.memory_space<vmem>>, %arg3: memref<128x128xf32, #tpu.memory_space<vmem>>, %arg4: memref<1x128xf32, #tpu.memory_space<vmem>>, %arg5: memref<2000x128xf32, #tpu.memory_space<vmem>>) attributes {dimension_semantics = [#tpu.dimension_semantics<arbitrary>], iteration_bounds = array<i64: 5>, scalar_prefetch = 0 : i64, scratch_operands = 0 : i64, tpu.core_type = #tpu.core_type<tc>, window_params = [{transform_indices = @transform_0, window_bounds = array<i64: 2, 2000, 128>}, {transform_indices = @transform_1, window_bounds = array<i64: 2000, 2>}, {pipeline_mode = #tpu.pipeline_mode<synchronous>, transform_indices = @transform_2, window_bounds = array<i64: 128, 128>}, {pipeline_mode = #tpu.pipeline_mode<synchronous>, transform_indices = @transform_3, window_bounds = array<i64: 1, 128>}, {transform_indices = @transform_4, window_bounds = array<i64: 2000, 128>}]} {
    %get3A = arith.constant 0 : index
    %get3A_0 = arith.constant 0 : index
    %get3A_1 = arith.constant 0 : index
    %get3A_2 = vector.load %arg1[%get3A, %get3A_0, %get3A_1] : memref<2x2000x128xf32, #tpu.memory_space<vmem>>, vector<1x2000x128xf32>
    %get3A_3 = vector.shape_cast %get3A_2 : vector<1x2000x128xf32> to vector<2000x128xf32>
    %get3A_4 = arith.constant 1 : index
    %get3A_5 = arith.constant 0 : index
    %get3A_6 = arith.constant 0 : index
    %get3A_7 = vector.load %arg1[%get3A_4, %get3A_5, %get3A_6] : memref<2x2000x128xf32, #tpu.memory_space<vmem>>, vector<1x2000x128xf32>
    %get3A_8 = vector.shape_cast %get3A_7 : vector<1x2000x128xf32> to vector<2000x128xf32>
    %add3A = arith.addf %get3A_3, %get3A_8 : vector<2000x128xf32>
    %get3A_9 = arith.constant 0 : index
    %get3A_10 = arith.constant 0 : index
    %get3A_11 = vector.load %arg2[%get3A_9, %get3A_10] : memref<2000x2xf32, #tpu.memory_space<vmem>>, vector<2000x2xf32>
    %slice3A = vector.extract_strided_slice %get3A_11 {offsets = [0, 0], sizes = [2000, 1], strides = [1, 1]} : vector<2000x2xf32> to vector<2000x1xf32>
    %squeeze3A = vector.shape_cast %slice3A : vector<2000x1xf32> to vector<2000xf32>
    %slice3A_12 = vector.extract_strided_slice %get3A_11 {offsets = [0, 1], sizes = [2000, 1], strides = [1, 1]} : vector<2000x2xf32> to vector<2000x1xf32>
    %squeeze3A_13 = vector.shape_cast %slice3A_12 : vector<2000x1xf32> to vector<2000xf32>
    %add3A_14 = arith.addf %squeeze3A, %squeeze3A_13 : vector<2000xf32>
    %max3A = arith.constant 1.000000e+00 : f32
    %max3A_15 = vector.broadcast %max3A : f32 to vector<2000xf32>
    %max3A_16 = arith.maximumf %add3A_14, %max3A_15 : vector<2000xf32>
    %get3A_17 = arith.constant 0 : index
    %get3A_18 = arith.constant 0 : index
    %get3A_19 = vector.load %arg3[%get3A_17, %get3A_18] : memref<128x128xf32, #tpu.memory_space<vmem>>, vector<128x128xf32>
    %dot_general3A = arith.constant dense<0.000000e+00> : vector<2000x128xf32>
    %dot_general3A_20 = tpu.matmul %add3A, %get3A_19, %dot_general3A {dimension_numbers = #tpu.dot_dimension_numbers<[1], [0], [0], [1], [0, 0, 1, 1], [], []>, transpose_lhs_hint = false} : vector<2000x128xf32>, vector<128x128xf32>, vector<2000x128xf32> -> vector<2000x128xf32>
    %broadcast_in_dim3A = vector.shape_cast %max3A_16 : vector<2000xf32> to vector<2000x1xf32>
    %div3A = vector.broadcast %broadcast_in_dim3A : vector<2000x1xf32> to vector<2000x128xf32>
    %div3A_21 = arith.divf %dot_general3A_20, %div3A : vector<2000x128xf32>
    %get3A_22 = arith.constant 0 : index
    %get3A_23 = arith.constant 0 : index
    %get3A_24 = vector.load %arg4[%get3A_22, %get3A_23] : memref<1x128xf32, #tpu.memory_space<vmem>>, vector<1x128xf32>
    %add3A_25 = vector.broadcast %get3A_24 : vector<1x128xf32> to vector<2000x128xf32>
    %add3A_26 = arith.addf %div3A_21, %add3A_25 : vector<2000x128xf32>
    %swap3A = arith.constant 0 : index
    %swap3A_27 = arith.constant 0 : index
    %swap3A_28 = vector.load %arg5[%swap3A, %swap3A_27] : memref<2000x128xf32, #tpu.memory_space<vmem>>, vector<2000x128xf32>
    tpu.vector_store %arg5[%swap3A, %swap3A_27], %add3A_26 {strides = array<i32>} : memref<2000x128xf32, #tpu.memory_space<vmem>>, vector<2000x128xf32>,
    return
  }
  func.func @transform_0(%arg0: i32) -> (i32, i32, i32) {
    %c0_i32 = arith.constant 0 : i32
    %c0_i32_0 = arith.constant 0 : i32
    %c0_i32_1 = arith.constant 0 : i32
    return %c0_i32, %arg0, %c0_i32_0 : i32, i32, i32
  }
  func.func @transform_1(%arg0: i32) -> (i32, i32) {
    %c0_i32 = arith.constant 0 : i32
    %c0_i32_0 = arith.constant 0 : i32
    return %arg0, %c0_i32 : i32, i32
  }
  func.func @transform_2(%arg0: i32) -> (i32, i32) {
    %c0_i32 = arith.constant 0 : i32
    %c0_i32_0 = arith.constant 0 : i32
    %c0_i32_1 = arith.constant 0 : i32
    return %c0_i32, %c0_i32_0 : i32, i32
  }
  func.func @transform_3(%arg0: i32) -> (i32, i32) {
    %c0_i32 = arith.constant 0 : i32
    %c0_i32_0 = arith.constant 0 : i32
    %c0_i32_1 = arith.constant 0 : i32
    return %c0_i32, %c0_i32_0 : i32, i32
  }
  func.func @transform_4(%arg0: i32) -> (i32, i32) {
    %c0_i32 = arith.constant 0 : i32
    %c0_i32_0 = arith.constant 0 : i32
    return %arg0, %c0_i32 : i32, i32
  }
}

</mosaic_0001>

<sc_bundles>
// kernel: kernel.4.cloned.1.call-start
scs
__scs_entry_jumppad:
0x0: {  	(pc) =	sbr.rel $0x88, $3  }
0x1: {  	(tag) =	ssettag $0x0;
	lr =	simm.s32 $0x1  }
0x2: {  	[smem:$0x3F9D] =	sst lr;
	_ =	strace $0xD0000000  }
0x3: {  	_ = 	snop  }
0x4: {  	_ = 	snop  }
0x5: {  	_ = 	snop  }
0x6: {  	_ = 	snop  }
0x7: {  	_ = 	snop  }
__scs_overlays_trampoline_lowered:
0x8: {  	[smem:$0x3FAC] =	sst s0  }
0x9: {  	[smem:$0x3FAD] =	sst s1  }
0xa: {  	[smem:$0x3FAE] =	sst s2  }
0xb: {  	[smem:$0x3FAF] =	sst s3  }
0xc: {  	[smem:$0x3FB0] =	sst s4  }
0xd: {  	[smem:$0x3FB1] =	sst s5  }
0xe: {  	[smem:$0x3FB2] =	sst s6  }
0xf: {  	[smem:$0x3FB3] =	sst s7  }
0x10: {  	[smem:$0x3FB4] =	sst s8  }
0x11: {  	[smem:$0x3FB5] =	sst s9;
	s0 =	simm.s32 @!p0 $0x0  }
0x12: {  	s1 =	sld [smem:$0x3F9B];
	s0 =	simm.s32 @p0 $0x1  }
0x13: {  	[smem:$0x3FB6] =	sst s0;
	s0 =	simm.s32 @!p1 $0x0  }
0x14: {  	s2 =	sld [smem:$0x3F9A];
	s0 =	simm.s32 @p1 $0x1  }
0x15: {  	[smem:$0x3FB7] =	sst s0;
	s0 =	simm.s32 @!p2 $0x0  }
0x16: {  	s3 =	sld [smem:$0x3FDB];
	s0 =	simm.s32 @p2 $0x1  }
0x17: {  	s4 =	simm.s32 $0x1BF5;
	[smem:$0x3FB9] =	sst s0  }
0x18: {  	s0 =	sld [smem:$0x3F9C];
	_ =	swait.ge [sflag:s4], $0x0  }
0x19: {  	s7 =	sld [smem:$0x3F9D]  }
0x1a: {  	s8 =	sadd.s32 $0xFFFFE003, lr  }
0x1b: {  	s9 =	sadd.s32 $0xFFFFFEF7, lr;
	s5 =	simm.s32 $0xFFFFFFFF;
	p2 =	slt.u32 s8, $0xFFFFF086  }
0x1c: {  	p1 =	slt.u32 s9, $0xF7A;
	s5 =	simm.s32 @!p2 $0x0  }
0x1d: {  	s5 =	simm.s32 @p1 $0x1;
	p0 =	seq.s32 s7, s2  }
0x1e: {  	s7 =	smul.u32 @!p0 $0xF7A, s2;
	p2 =	seq.s32 @!p0 s5, $0x0  }
0x1f: {  	s9 =	smul.u32 $0xF7A, s1;
	s8 =	simm.s32 @!p0 $0x1BF5;
	p2 =	por !p2, p0  }
0x20: {  	[sflag:s8] =	ssyncset.s32 @!p0 $0xFFFFF086;
	s6 =	sadd.s32 @!p0 s3, s7;
	s7 =	simm.s32 @!p0 $0x108  }
0x21: {  	s3 =	sadd.s32 s3, s9;
	s6 =	sadd.s32 @!p0 $0x88, s6;
	s7 =	simm.s32 @p2 $0x1082  }
0x22: {  	[simem:s7], [sflag:s8] =	dma.local @!p0 [hbm:s6], $0xF7A  }
0x23: {  	s9 =	sor.u32 $0xD0000000, s2;
	s6 =	simm.s32 $0x108;
	_ =	swait.ge @!p0 [sflag:s8], $0x0  }
0x24: {  	s3 =	sadd.s32 $0x88, s3;
	s6 =	simm.s32 @!p1 $0x1082;
	[sflag:s4] =	ssyncset.s32 $0xFFFFF086  }
0x25: {  	[simem:s6], [sflag:s4] =	dma.local [hbm:s3], $0xF7A  }
0x26: {  	[smem:$0x3F9D] =	sst s1;
	(tag) =	ssettag s2;
	_ =	strace s9  }
0x27: {  	s1 =	sld [smem:$0x3FAD]  }
0x28: {  	s2 =	sld [smem:$0x3FAE]  }
0x29: {  	s4 =	sld [smem:$0x3FB0]  }
0x2a: {  	p0 =	seq.s32 s5, $0x0;
	s5 =	sld [smem:$0x3FB1]  }
0x2b: {  	s6 =	sld [smem:$0x3FB2]  }
0x2c: {  	s7 =	sld [smem:$0x3FB3]  }
0x2d: {  	s3 =	simm.s32 $0x108;
	s8 =	sld [smem:$0x3FB4]  }
0x2e: {  	s3 =	simm.s32 @!p0 $0x1082;
	s9 =	sld [smem:$0x3FB5]  }
0x2f: {  	lr =	sadd.s32 s0, s3;
	s0 =	sld [smem:$0x3FAC]  }
0x30: {  	s3 =	sld [smem:$0x3FAF]  }
0x31: {  	[smem:$0x3FB8] =	sst s10  }
0x32: {  	s10 =	sld [smem:$0x3FB6];
	_ =	sdelay $0x3  }
0x33: {  	p0 =	seq.s32 s10, $0x1;
	s10 =	sld [smem:$0x3FB8];
	_ =	sdelay $0x3  }
0x34: {  	[smem:$0x3FB8] =	sst s10  }
0x35: {  	s10 =	sld [smem:$0x3FB7];
	_ =	sdelay $0x3  }
0x36: {  	p1 =	seq.s32 s10, $0x1;
	s10 =	sld [smem:$0x3FB8];
	_ =	sdelay $0x3  }
0x37: {  	[smem:$0x3FB8] =	sst s10  }
0x38: {  	s10 =	sld [smem:$0x3FB9]  }
0x39: {  	_ = 	snop;
	(pc) =	sbr.ind lr, $3  }
0x3a: {  	_ = 	snop  }
0x3b: {  	_ = 	snop  }
0x3c: {  	p2 =	seq.s32 s10, $0x1;
	s10 =	sld [smem:$0x3FB8]  }
0x3d: {  	_ =	shalt  }
0x3e: {  	_ =	shalt  }
0x3f: {  	_ =	shalt  }
0x40: {  	_ =	shalt  }
0x41: {  	_ =	shalt  }
0x42: {  	_ =	shalt  }
0x43: {  	_ =	shalt  }
0x44: {  	_ =	shalt  }
0x45: {  	_ =	shalt  }
0x46: {  	_ =	shalt  }
0x47: {  	_ =	shalt  }
0x48: {  	_ =	shalt  }
0x49: {  	_ =	shalt  }
0x4a: {  	_ =	shalt  }
0x4b: {  	_ =	shalt  }
0x4c: {  	_ =	shalt  }
0x4d: {  	_ =	shalt  }
0x4e: {  	_ =	shalt  }
0x4f: {  	_ =	shalt  }
0x50: {  	_ =	shalt  }
0x51: {  	_ =	shalt  }
0x52: {  	_ =	shalt  }
0x53: {  	_ =	shalt  }
0x54: {  	_ =	shalt  }
0x55: {  	_ =	shalt  }
0x56: {  	_ =	shalt  }
0x57: {  	_ =	shalt  }
0x58: {  	_ =	shalt  }
0x59: {  	_ =	shalt  }
0x5a: {  	_ =	shalt  }
0x5b: {  	_ =	shalt  }
0x5c: {  	_ =	shalt  }
0x5d: {  	_ =	shalt  }
0x5e: {  	_ =	shalt  }
0x5f: {  	_ =	shalt  }
0x60: {  	_ =	shalt  }
0x61: {  	_ =	shalt  }
0x62: {  	_ =	shalt  }
0x63: {  	_ =	shalt  }
0x64: {  	_ =	shalt  }
0x65: {  	_ =	shalt  }
0x66: {  	_ =	shalt  }
0x67: {  	_ =	shalt  }
0x68: {  	_ =	shalt  }
0x69: {  	_ =	shalt  }
0x6a: {  	_ =	shalt  }
0x6b: {  	_ =	shalt  }
0x6c: {  	_ =	shalt  }
0x6d: {  	_ =	shalt  }
0x6e: {  	_ =	shalt  }
0x6f: {  	_ =	shalt  }
0x70: {  	_ =	shalt  }
0x71: {  	_ =	shalt  }
0x72: {  	_ =	shalt  }
0x73: {  	_ =	shalt  }
0x74: {  	_ =	shalt  }
0x75: {  	_ =	shalt  }
0x76: {  	_ =	shalt  }
0x77: {  	_ =	shalt  }
0x78: {  	_ =	shalt  }
0x79: {  	_ =	shalt  }
0x7a: {  	_ =	shalt  }
0x7b: {  	_ =	shalt  }
0x7c: {  	_ =	shalt  }
0x7d: {  	_ =	shalt  }
0x7e: {  	_ =	shalt  }
0x7f: {  	_ =	shalt  }
0x80: {  	_ =	shalt  }
0x81: {  	_ =	shalt  }
0x82: {  	_ =	shalt  }
0x83: {  	_ =	shalt  }
0x84: {  	_ =	shalt  }
0x85: {  	_ =	shalt  }
0x86: {  	_ =	shalt  }
0x87: {  	_ =	shalt  }
.Lfunc_end0:
.L_simem_size_0:
called_computation_lowered:
.L_overlay_start_0:
0x88: {  	s2 =	sld [smem:$0x3FD9]  }
0x89: {  	s3 =	sld [smem:$0x3FFE];
	_ =	sdelay $0x1  }
0x8a: {  	s1 =	srdreg.scid  }
0x8b: {  	s0 =	sand.u32 $0x1, s1  }
0x8c: {  	s17 =	sshll.u32 s0, $0xA;
	s2 =	sadd.s32 s3, s2  }
0x8d: {  	s2 =	sadd.s32 s2, s17  }
0x8e: {  	[smem:$0x3FC4] =	sst s2  }
0x8f: {  	_ = 	snop  }
0x90: {  	s2 =	sld [smem:$0x3FC9]  }
0x91: {  	s18 =	sld [smem:$0x3FD0];
	(tm) =	ssettm $0x1  }
0x92: {  	s4 =	sld [smem:$0x3FFB];
	_ =	sdelay $0x3  }
0x93: {  	_ =	strace s4  }
0x94: {  	s4 =	sld [smem:$0x3FFC];
	_ =	sdelay $0x3  }
0x95: {  	_ =	strace s4  }
0x96: {  	s4 =	sld [smem:$0x3FFD];
	_ =	sdelay $0x3  }
0x97: {  	_ =	strace s4  }
0x98: {  	_ =	strace $0x8FFFFFFF  }
0x99: {  	s19 =	sld [smem:$0x3FDB];
	_ =	sdelay $0x1  }
0x9a: {  	s5 =	simm.s32 $_scs_section_size  }
0x9b: {  	s6 =	simm.s32 $_size__tile_overlayer_lowered;
	s7 =	simm.s32 $_tile_overlayer_lowered  }
0x9c: {  	s22 =	simm.s32 $0x1BFF;
	s21 =	sshll.u32 s7, $0x1;
	s4 =	sadd.s32 s5, s19  }
0x9d: {  	s8 =	simm.s32 $0x0;
	s20 =	sshll.u32 s6, $0x1;
	s6 =	sadd.s32 s21, s4  }
0x9e: {  	[timem:s8], [sflag:s22] =	dma.local [hbm:s6], s20  }
0x9f: {  	_ =	swait.ge [sflag:s22], s20  }
0xa0: {  	s5 =	ssub.s32 $0x0, s20;
	[sflag:s22] =	ssyncset.done $0x0  }
0xa1: {  	[sflag:s22] =	ssyncadd.s32 s5;
	_ =	sdelay $0x1  }
0xa2: {  	s23 =	simm.s32 $0x1B8B  }
0xa3: {  	_ =	swait.ge [sflag:s23], $0x1  }
0xa4: {  	[sflag:s23] =	ssyncset.done $0x0  }
0xa5: {  	s25 =	simm.s32 $0x1B8E;
	s24 =	sld [smem:$0x3FFE];
	[sflag:s23] =	ssyncadd.s32 $0xFFFFFFFF  }
0xa6: {  	s26 =	simm.s32 $execute0_lowered;
	[smem:$0x3FD2] =	sst s25  }
0xa7: {  	s6 =	sshll.u32 s26, $0x1;
	_ =	strace $0x80000046;
	[dreg:$0x1] =	wrdreg $0xFFFFFFFF  }
0xa8: {  	s28 =	simm.s32 $_size_execute0_lowered;
	s4 =	sadd.s32 s4, s6;
	[dreg:$0x0] =	wrdreg $0x0  }
0xa9: {  	s6 =	sshll.u32 s28, $0x1;
	[dreg:$0x2] =	wrdreg s4  }
0xaa: {  	[dreg:$0x3] =	wrdreg s6  }
0xab: {  	[dreg:$0x4] =	wrdreg $0xC0  }
0xac: {  	_ =	task [dreg:s8], $0x5FFFF  }
0xad: {  	[dreg:$0x1] =	wrdreg $0xFFFFFFFF  }
0xae: {  	[dreg:$0x0] =	wrdreg $0x60  }
0xaf: {  	[dreg:$0x2] =	wrdreg s2  }
0xb0: {  	[dreg:$0x3] =	wrdreg s18  }
0xb1: {  	[dreg:$0x4] =	wrdreg s24  }
0xb2: {  	[dreg:$0x5] =	wrdreg $0x93000  }
0xb3: {  	[dreg:$0x6] =	wrdreg $0x1CB800  }
0xb4: {  	[dreg:$0x7] =	wrdreg $0x9  }
0xb5: {  	_ =	task.clear_ibuf [dreg:s8], $0x8FFFF;
	_ =	strace $0x90000046  }
0xb6: {  	s29 =	simm.s32 $0x9;
	_ =	strace $0x80000048  }
0xb7: {  	_ =	swait.ge [sflag:s29], $0x1  }
0xb8: {  	[sflag:s29] =	ssyncadd.s32 $0xFFFFFFFF  }
0xb9: {  	_ =	strace $0x90000048  }
0xba: {  	_ =	sfence  }
0xbb: {  	s30 =	sld [smem:$0x0];
	_ =	sdelay $0x2  }
0xbc: {  	s31 =	sshll.u32 s1, $0xD;
	s1 =	sshrl.u32 s1, $0x2  }
0xbd: {  	s3 =	sand.u32 $0x4000, s31;
	s1 =	sadd.s32 s1, s30  }
0xbe: {  	s0 =	sor.u32 s3, s0;
	s1 =	sshll.u32 s1, $0x11  }
0xbf: {  	s0 =	sor.u32 s1, s0  }
0xc0: {  	s0 =	sadd.s32 $0x8F2B, s0  }
0xc1: {  	[sflag:s0] =	ssyncadd.remote.s32 $0x1  }
0xc2: {  	_ =	sfence.sel $0xFFFF  }
0xc3: {  	[dreg:$0x0] =	wrdreg $0xFFFFFFFF;
	(pc) =	sbr.abs _section_cstart, $3  }
0xc4: {  	[dreg:$0x1] =	wrdreg $0xFFFFFFFF  }
0xc5: {  	_ =	task.clear_ibuf [dreg:s8], $0x2FFFF;
	_ =	strace $0x9FFFFFFF  }
0xc6: {  	(tm) =	ssettm $0x7FFFFFFF  }
0xc7: {  	_ =	shalt  }
tec
execute0_lowered:
.L_overlay_start_1:
0x0: {  	(tag) =	ssettag $0x1  }
0x1: {  	s1 =	rddreg [dreg:$0x0]  }
0x2: {  	s12 =	rddreg [dreg:$0x1]  }
0x3: {  	s7 =	rddreg [dreg:$0x2]  }
0x4: {  	s3 =	rddreg [dreg:$0x3]  }
0x5: {  	s0 =	srdreg.scid;
	s4 =	rddreg [dreg:$0x4];
	s5 =	simm.s32 $0x0  }
0x6: {  	s18 =	simm.s32 $0x2;
	s19 =	simm.s32 $0x9080;
	s6 =	sand.u32 $0x1, s0  }
0x7: {  	s20 =	simm.s32 $0x2800;
	s0 =	stileid.u32;
	s8 =	smul.u32 $0x13C000, s6  }
0x8: {  	s21 =	simm.s32 $0x7D;
	s22 =	simm.s32 $0x1;
	s9 =	smul.u32 $0x13C00, s0  }
0x9: {  	s23 =	simm.s32 $0x9000;
	[smem:$0x7FF] =	sst s5;
	s10 =	smul.u32 $0x2800, s6  }
0xa: {  	s2 =	sshll.u32 s6, $0x4;
	s11 =	sshrl.u32 s0, $0x3;
	s26 =	smul.u32 $0x4E200, s0  }
0xb: {  	s15 =	sshll.u32 s0, $0x7;
	s6 =	ssub.s32 $0x2, s6;
	s31 =	smul.u32 $0xA00, s0  }
0xc: {  	s2 =	sor.u32 s0, s2;
	s11 =	smul.u32 $0x1400, s11;
	s25 =	sand.u32 $0x380, s15  }
0xd: {  	s30 =	sshrl.u32 s6, $0x1;
	s13 =	smul.u32 $0x500, s2;
	s2 =	rddreg [dreg:$0x5]  }
0xe: {  	_ =	strace $0x80000047;
	s8 =	sadd.s32 s9, s8;
	s17 =	ssub.s32 s6, s30  }
0xf: {  	s24 =	sadd.s32 s10, s11;
	s8 =	sshrl.u32 s8, $0x3;
	s10 =	sshrl.u32 s26, $0x2  }
0x10: {  	s11 =	sshrl.u32 s31, $0x2;
	s26 =	simm.s32 $0x0;
	s14 =	sadd.s32 s13, s7  }
0x11: {  	s9 =	sor.u32 s25, s24;
	s28 =	sadd.s32 s8, s7;
	s6 =	sadd.s32 s10, s3  }
0x12: {  	s11 =	sadd.s32 s11, s4;
	s12 =	sadd.s32 s12, s13;
	s24 =	simm.s32 $0x80  }
0x13: {  	s25 =	simm.s32 $0x10;
	s29 =	sshrl.u32 s9, $0x3;
	s8 =	sadd.s32 $0x7D00, s6  }
0x14: {  	s9 =	sadd.s32 $0xBB80, s6;
	s10 =	sadd.s32 $0xFA00, s6;
	s13 =	sadd.s32 $0x600, s14  }
0x15: {  	s14 =	sadd.s32 $0xA600, s28;
	s16 =	sadd.s32 s29, s7;
	s7 =	sadd.s32 $0x3E80, s6  }
0x16: {  	v0 =	vimm.f32 $0.0e+00;
	v1 =	vimm.f32 $1.000000000e+00;
	s15 =	sadd.s32 $0x59600, s16;
	s16 =	smax.u32 s17, $0x1;
	s17 =	simm.s32 $0x5000  }
.LBB2_1:
0x17: {  	s28 =	sand.u32 $0xFE00, s5  }
0x18: {  	s29 =	sand.u32 $0x70, s5;
	s30 =	sshrl.u32 s28, $0x2  }
0x19: {  	s28 =	simm.s32 $0x40;
	s30 =	sor.u32 s29, s30;
	s29 =	simm.s32 $0x0  }
.LBB2_2:
0x1a: {  	p0 =	sne.s32 s28, $0xF9C0  }
0x1b: {  	[tilespmem:s30+$0x5000] =	vst v0;
	s29 =	sadd.s32 $0x10, s29;
	s30 =	smov.u32 s28;
	s28 =	sadd.s32 $0x40, s28  }
.Ltmp0:
0x1c: {  	(pc) =	sbr.rel @p0 .LBB2_2-.Ltmp0, $4  }
0x1d: {  	_ = 	snop  }
0x1e: {  	s30 =	sand.u32 $0xFE00, s30  }
0x1f: {  	s31 =	sand.u32 $0x70, s29;
	s30 =	sshrl.u32 s30, $0x2  }
0x20: {  	s30 =	sor.u32 s31, s30  }
0x21: {  	[tilespmem:s30+$0x5000] =	vst v0  }
0x22: {  	[tilespmem:$0x9080] =	vst v0  }
0x23: {  	[tilespmem:$0x9090] =	vst v0  }
0x24: {  	[tilespmem:$0x90A0] =	vst v0  }
0x25: {  	[tilespmem:$0x90B0] =	vst v0  }
0x26: {  	[tilespmem:$0x90C0] =	vst v0  }
0x27: {  	[tilespmem:$0x90D0] =	vst v0  }
0x28: {  	[tilespmem:$0x90E0] =	vst v0  }
0x29: {  	[tilespmem:$0x90F0] =	vst v0  }
0x2a: {  	[tilespmem:$0x9100] =	vst v0  }
0x2b: {  	[tilespmem:$0x9110] =	vst v0  }
0x2c: {  	[tilespmem:$0x9120] =	vst v0  }
0x2d: {  	[tilespmem:$0x9130] =	vst v0  }
0x2e: {  	[tilespmem:$0x9140] =	vst v0  }
0x2f: {  	[tilespmem:$0x9150] =	vst v0  }
0x30: {  	[tilespmem:$0x9160] =	vst v0  }
0x31: {  	[tilespmem:$0x9170] =	vst v0  }
0x32: {  	[tilespmem:$0x9180] =	vst v0  }
0x33: {  	[tilespmem:$0x9190] =	vst v0  }
0x34: {  	[tilespmem:$0x91A0] =	vst v0  }
0x35: {  	[tilespmem:$0x91B0] =	vst v0  }
0x36: {  	[tilespmem:$0x91C0] =	vst v0  }
0x37: {  	[tilespmem:$0x91D0] =	vst v0  }
0x38: {  	[tilespmem:$0x91E0] =	vst v0  }
0x39: {  	[tilespmem:$0x91F0] =	vst v0  }
0x3a: {  	[tilespmem:$0x9200] =	vst v0  }
0x3b: {  	[tilespmem:$0x9210] =	vst v0  }
0x3c: {  	[tilespmem:$0x9220] =	vst v0  }
0x3d: {  	[tilespmem:$0x9230] =	vst v0  }
0x3e: {  	[tilespmem:$0x9240] =	vst v0  }
0x3f: {  	[tilespmem:$0x9250] =	vst v0  }
0x40: {  	[tilespmem:$0x9260] =	vst v0  }
0x41: {  	[tilespmem:$0x9270] =	vst v0  }
0x42: {  	[tilespmem:$0x9280] =	vst v0  }
0x43: {  	[tilespmem:$0x9290] =	vst v0  }
0x44: {  	[tilespmem:$0x92A0] =	vst v0  }
0x45: {  	[tilespmem:$0x92B0] =	vst v0  }
0x46: {  	[tilespmem:$0x92C0] =	vst v0  }
0x47: {  	[tilespmem:$0x92D0] =	vst v0  }
0x48: {  	[tilespmem:$0x92E0] =	vst v0  }
0x49: {  	[tilespmem:$0x92F0] =	vst v0  }
0x4a: {  	[tilespmem:$0x9000] =	vst v1  }
0x4b: {  	[tilespmem:$0x9010] =	vst v1  }
0x4c: {  	[tilespmem:$0x9020] =	vst v1  }
0x4d: {  	[tilespmem:$0x9030] =	vst v1  }
0x4e: {  	[tilespmem:$0x9040] =	vst v1  }
0x4f: {  	[tilespmem:$0x9050] =	vst v1  }
0x50: {  	[tilespmem:$0x9060] =	vst v1  }
0x51: {  	[tilespmem:$0x9070] =	vst v1  }
0x52: {  	[spmem:s6] =	stream.linear.scatter [tilespmem:s17], [sflag:$0x2], $0x3E80, $0x38;
	[tilespmem:$0x1CE00] =	vst v63  }
0x53: {  	_ =	swait.ge [sflag:s18], $0x3E80  }
0x54: {  	[sflag:s18] =	ssyncset.done $0x0  }
0x55: {  	[sflag:s18] =	ssyncadd.s32 $0xFFFFC180  }
0x56: {  	[spmem:s7] =	stream.linear.scatter [tilespmem:s17], [sflag:$0x2], $0x3E80, $0x38;
	[tilespmem:$0x1CE00] =	vst v63  }
0x57: {  	_ =	swait.ge [sflag:s18], $0x3E80  }
0x58: {  	[sflag:s18] =	ssyncset.done $0x0  }
0x59: {  	[sflag:s18] =	ssyncadd.s32 $0xFFFFC180  }
0x5a: {  	[spmem:s8] =	stream.linear.scatter [tilespmem:s17], [sflag:$0x2], $0x3E80, $0x38;
	[tilespmem:$0x1CE00] =	vst v63  }
0x5b: {  	_ =	swait.ge [sflag:s18], $0x3E80  }
0x5c: {  	[sflag:s18] =	ssyncset.done $0x0  }
0x5d: {  	[sflag:s18] =	ssyncadd.s32 $0xFFFFC180  }
0x5e: {  	[spmem:s9] =	stream.linear.scatter [tilespmem:s17], [sflag:$0x2], $0x3E80, $0x38;
	[tilespmem:$0x1CE00] =	vst v63  }
0x5f: {  	_ =	swait.ge [sflag:s18], $0x3E80  }
0x60: {  	[sflag:s18] =	ssyncset.done $0x0  }
0x61: {  	[sflag:s18] =	ssyncadd.s32 $0xFFFFC180  }
0x62: {  	[spmem:s10] =	stream.linear.scatter [tilespmem:s17], [sflag:$0x2], $0x3E80, $0x38;
	[tilespmem:$0x1CE00] =	vst v63  }
0x63: {  	_ =	swait.ge [sflag:s18], $0x3E80  }
0x64: {  	[sflag:s18] =	ssyncset.done $0x0  }
0x65: {  	[sflag:s18] =	ssyncadd.s32 $0xFFFFC180  }
0x66: {  	[spmem:s11] =	stream.linear.scatter [tilespmem:s19], [sflag:$0x2], $0x280, $0x38;
	[tilespmem:$0x1CE00] =	vst v63  }
0x67: {  	_ =	swait.ge [sflag:s18], $0x280  }
0x68: {  	[sflag:s18] =	ssyncset.done $0x0  }
0x69: {  	s28 =	simm.s32 $0x0;
	[sflag:s18] =	ssyncadd.s32 $0xFFFFFD80  }
0x6a: {  	[tilespmem:s28], [sflag:$0x2] =	stream.linear.gather [hbm4b:s12+s28], $0x2800, $0x38;
	[tilespmem:$0x1CE00] =	vst v63  }
0x6b: {  	_ =	swait.ge [sflag:s18], $0x2800  }
0x6c: {  	[sflag:s18] =	ssyncset.done $0x0  }
0x6d: {  	[sflag:s18] =	ssyncadd.s32 $0xFFFFD800  }
0x6e: {  	[tilespmem:s20], [sflag:$0x2] =	stream.linear.gather [hbm4b:s13+s28], $0x2800, $0x38;
	[tilespmem:$0x1CE00] =	vst v63  }
0x6f: {  	_ =	swait.ge [sflag:s18], $0x2800  }
0x70: {  	[sflag:s18] =	ssyncset.done $0x0  }
0x71: {  	[sflag:s18] =	ssyncadd.s32 $0xFFFFD800  }
0x72: {  	s28 =	simm.s32 $0x0;
	[bflag:$0x0] =	sbarrier.arrive $0xFFFF  }
0x73: {  	[tilespmem:s17], [sflag:$0x1] =	stream.indirect.gather [hbm4b:s1+s21], $0x80, s28, s21, $0xb8;
	[tilespmem:$0x1CE00] =	vst v63  }
0x74: {  	_ =	swait.ge [sflag:s22], $0x3E80  }
0x75: {  	[sflag:s22] =	ssyncset.done $0x0  }
0x76: {  	s28 =	simm.s32 $0x2800;
	[sflag:s22] =	ssyncadd.s32 $0xFFFFC180  }
0x77: {  	[spmem:s3] =	stream.indirect.scatter.add.f32 [tilespmem:s17], [sflag:$0x2], $0x80, s28, s21, $0xb8;
	[tilespmem:$0x1CE00] =	vst v63  }
0x78: {  	_ =	swait.ge [sflag:s18], $0x3E80  }
0x79: {  	[sflag:s18] =	ssyncset.done $0x0  }
0x7a: {  	[sflag:s18] =	ssyncadd.s32 $0xFFFFC180  }
0x7b: {  	[spmem:s4] =	stream.indirect.scatter.add.f32 [tilespmem:s23], [sflag:$0x2], $0x1, s28, s21, $0xb8;
	[tilespmem:$0x1CE00] =	vst v63  }
0x7c: {  	_ =	swait.ge [sflag:s18], $0x7D  }
0x7d: {  	s29 =	simm.s32 $0x400;
	s28 =	simm.s32 $0x200;
	[sflag:s18] =	ssyncset.done $0x0  }
.LBB2_4:
0x7e: {  	s30 =	sshra.s32 s28, $0x2  }
0x7f: {  	[sflag:s18] =	ssyncadd.s32 $0xFFFFFF83;
	s28 =	smov.u32 s29;
	s31 =	sadd.s32 $0x200, s29  }
0x80: {  	[tilespmem:s17], [sflag:$0x1] =	stream.indirect.gather [hbm4b:s1+s21], $0x80, s30, s21, $0xb8;
	[tilespmem:$0x1CE00] =	vst v63  }
0x81: {  	p0 =	sne.s32 s29, $0x9E00;
	_ =	swait.ge [sflag:s22], $0x3E80  }
0x82: {  	[sflag:s22] =	ssyncset.done $0x0  }
0x83: {  	s29 =	sadd.s32 $0x2800, s30;
	[sflag:s22] =	ssyncadd.s32 $0xFFFFC180  }
0x84: {  	[spmem:s3] =	stream.indirect.scatter.add.f32 [tilespmem:s17], [sflag:$0x2], $0x80, s29, s21, $0xb8;
	[tilespmem:$0x1CE00] =	vst v63  }
0x85: {  	_ =	swait.ge [sflag:s18], $0x3E80  }
.Ltmp1:
0x86: {  	[sflag:s18] =	ssyncset.done $0x0;
	(pc) =	sbr.rel @p0 .LBB2_4-.Ltmp1, $4  }
0x87: {  	[sflag:s18] =	ssyncadd.s32 $0xFFFFC180  }
0x88: {  	[spmem:s4] =	stream.indirect.scatter.add.f32 [tilespmem:s23], [sflag:$0x2], $0x1, s29, s21, $0xb8;
	[tilespmem:$0x1CE00] =	vst v63  }
0x89: {  	_ =	swait.ge [sflag:s18], $0x7D  }
0x8a: {  	s29 =	smov.u32 s31;
	[sflag:s18] =	ssyncset.done $0x0  }
0x8b: {  	s28 =	sshra.s32 s28, $0x2;
	[sflag:s18] =	ssyncadd.s32 $0xFFFFFF83  }
0x8c: {  	[tilespmem:s17], [sflag:$0x1] =	stream.indirect.gather [hbm4b:s1+s21], $0x80, s28, s21, $0xb8;
	[tilespmem:$0x1CE00] =	vst v63  }
0x8d: {  	_ =	swait.ge [sflag:s22], $0x3E80  }
0x8e: {  	[sflag:s22] =	ssyncset.done $0x0  }
0x8f: {  	s28 =	sadd.s32 $0x2800, s28;
	[sflag:s22] =	ssyncadd.s32 $0xFFFFC180  }
0x90: {  	[spmem:s3] =	stream.indirect.scatter.add.f32 [tilespmem:s17], [sflag:$0x2], $0x80, s28, s21, $0xb8;
	[tilespmem:$0x1CE00] =	vst v63  }
0x91: {  	_ =	swait.ge [sflag:s18], $0x3E80  }
0x92: {  	[sflag:s18] =	ssyncset.done $0x0  }
0x93: {  	[sflag:s18] =	ssyncadd.s32 $0xFFFFC180  }
0x94: {  	[spmem:s4] =	stream.indirect.scatter.add.f32 [tilespmem:s23], [sflag:$0x2], $0x1, s28, s21, $0xb8;
	[tilespmem:$0x1CE00] =	vst v63  }
0x95: {  	_ =	swait.ge [sflag:s18], $0x7D  }
0x96: {  	[sflag:s18] =	ssyncset.done $0x0  }
0x97: {  	s30 =	sshll.u32 s0, $0x6;
	[sflag:s18] =	ssyncadd.s32 $0xFFFFFF83  }
0x98: {  	s29 =	sshrl.u32 s6, $0x3;
	s28 =	sor.u32 $0x1C02, s30;
	[bflag:$0x0] =	sbarrier.arrive $0xFFFF  }
0x99: {  	[hbm:s14], [sflag:s28] =	dma.local [spmem:s29], $0x2710  }
0x9a: {  	s26 =	sadd.s32 $0x1, s26;
	_ =	swait.ge [sflag:s18], $0x2710  }
0x9b: {  	p0 =	sne.s32 s26, s16;
	[sflag:s18] =	ssyncset.done $0x0  }
.Ltmp2:
0x9c: {  	s31 =	sshrl.u32 s11, $0x3;
	[sflag:s18] =	ssyncadd.s32 $0xFFFFD8F0;
	(pc) =	sbr.rel @p0 .LBB2_1-.Ltmp2, $4  }
0x9d: {  	[hbm:s15@s24], [sflag:s28] =	dma.strided [spmem:s31@s25], $0x50, s22, $0x10   }
0x9e: {  	_ =	swait.ge [sflag:s18], $0x50  }
0x9f: {  	[sflag:s18] =	ssyncset.done $0x0  }
0xa0: {  	[sflag:s18] =	ssyncadd.s32 $0xFFFFFFB0  }
0xa1: {  	_ =	sfence.sel $0x180000  }
0xa2: {  	[bflag:$0x0] =	sbarrier.arrive $0xFFFF  }
0xa3: {  	p0 =	sne.s32 s0, $0x0;
	_ =	strace $0x90000047  }
0xa4: {  	s0 =	sadd.s32 @!p0 $0x100000, s2;
	[bflag:$0x2] =	sbarrier.arrive $0xFFFF  }
0xa5: {  	[sflag:s0] =	ssyncadd.tile.s32 @!p0 $0x1;
	_ =	shalt  }
.Lfunc_end2:
_tile_overlayer_lowered:
.L_overlay_start_2:
0xa6: {  	(tag) =	ssettag $0x2  }
0xa7: {  	s0 =	rddreg [dreg:$0x0];
	s2 =	stileid.u32  }
0xa8: {  	s1 =	rddreg [dreg:$0x1];
	p0 =	sne.s32 s2, $0x0  }
0xa9: {  	s3 =	rddreg [dreg:$0x2];
	[bflag:$0x3] =	sbarrier.arrive $0xFFFF;
	s2 =	simm.s32 @!p0 $0x1C02  }
0xaa: {  	[timem:s3], [sflag:s2] =	dma.local @!p0 [hbm:s0], s1  }
0xab: {  	s0 =	simm.s32 @!p0 $0x2  }
0xac: {  	_ =	swait.ge @!p0 [sflag:s0], s1  }
0xad: {  	s1 =	ssub.s32 @!p0 $0x0, s1;
	[sflag:s0] =	ssyncset.done @!p0 $0x0  }
0xae: {  	[sflag:s0] =	ssyncadd.s32 @!p0 s1  }
0xaf: {  	[bflag:$0x3] =	sbarrier.arrive $0xFFFF  }
0xb0: {  	_ =	shalt  }

</sc_bundles>
